<compile_context>
chip_gen: v7x
topology: tpu7x:2x2x1
jax: 0.10.2.dev20260603
libtpu: 0.0.44.dev20260713+nightly
codegen_flags: <defaults>
</compile_context>

<pallas_src>
import dataclasses
import functools

import jax
import jax.numpy as jnp
from jax import lax
from jax.experimental import pallas as pl
from jax.experimental.pallas import tpu as pltpu
from jax.experimental.pallas import tpu_sc as plsc

NC = 2
NS = 16
LANES = 16
GK = 128


def _sc_aggregate(x, src, dst, ew, n_pad, d, n_chunks):
    rows_per_tile = n_pad // NS
    assert rows_per_tile % 8 == 0
    mesh = plsc.VectorSubcoreMesh(core_axis_name="c", subcore_axis_name="s")
    cp = pltpu.CompilerParams()
    if "needs_layout_passes" in pltpu.CompilerParams.__dataclass_fields__:
        cp = dataclasses.replace(cp, needs_layout_passes=False)

    @functools.partial(
        pl.kernel,
        mesh=mesh,
        compiler_params=cp,
        out_type=jax.ShapeDtypeStruct((NC, n_pad, d), jnp.float32),
        scratch_types=[
            pltpu.VMEM_SHARED((n_pad, d), jnp.float32),
            pltpu.VMEM((n_chunks, GK), jnp.int32),
            pltpu.VMEM((n_chunks, GK), jnp.int32),
            pltpu.VMEM((n_chunks, GK), jnp.float32),
            pltpu.VMEM((GK, d), jnp.float32),
        ],
    )
    def agg_kernel(x_hbm, src_hbm, dst_hbm, ew_hbm, part_hbm,
                   acc_sh, src_v, dst_v, ew_v, rows_v):
        c = lax.axis_index("c")
        s = lax.axis_index("s")
        gwid = c * NS + s

        @pl.loop(0, GK)
        def _(r):
            for ch in range(d // LANES):
                rows_v[r, pl.ds(ch * LANES, LANES)] = jnp.zeros((LANES,), jnp.float32)

        base = s * rows_per_tile
        for k in range(rows_per_tile // GK):
            pltpu.sync_copy(rows_v, acc_sh.at[pl.ds(base + k * GK, GK)])
        rem = rows_per_tile % GK
        if rem:
            pltpu.sync_copy(rows_v.at[pl.ds(0, rem)],
                            acc_sh.at[pl.ds(base + rows_per_tile - rem, rem)])
        plsc.subcore_barrier()

        pltpu.sync_copy(src_hbm.at[gwid], src_v)
        pltpu.sync_copy(dst_hbm.at[gwid], dst_v)
        pltpu.sync_copy(ew_hbm.at[gwid], ew_v)

        @pl.loop(0, n_chunks)
        def _(i):
            pltpu.sync_copy(x_hbm.at[src_v.at[i]], rows_v)

            @pl.loop(0, GK)
            def _(e):
                wvec = plsc.load_gather(
                    ew_v, [jnp.full((LANES,), i, jnp.int32),
                           jnp.full((LANES,), e, jnp.int32)])
                for ch in range(d // LANES):
                    sl = pl.ds(ch * LANES, LANES)
                    rows_v[e, sl] = rows_v[e, sl] * wvec

            pltpu.sync_copy(rows_v, acc_sh.at[dst_v.at[i]], add=True)

        plsc.subcore_barrier()
        pltpu.sync_copy(acc_sh.at[pl.ds(base, rows_per_tile)],
                        part_hbm.at[c].at[pl.ds(base, rows_per_tile)])

    return agg_kernel(x, src, dst, ew)


def _tc_finish(parts, W, bias, n_out, blk=1000):
    d = parts.shape[2]
    d_out = W.shape[1]

    def body(p_ref, w_ref, b_ref, o_ref):
        agg = p_ref[0] + p_ref[1]
        o_ref[...] = jnp.dot(agg, w_ref[...],
                             preferred_element_type=jnp.float32) + b_ref[...]

    return pl.pallas_call(
        body,
        grid=(n_out // blk,),
        in_specs=[
            pl.BlockSpec((NC, blk, d), lambda i: (0, i, 0)),
            pl.BlockSpec((d, d_out), lambda i: (0, 0)),
            pl.BlockSpec((1, d_out), lambda i: (0, 0)),
        ],
        out_specs=pl.BlockSpec((blk, d_out), lambda i: (i, 0)),
        out_shape=jax.ShapeDtypeStruct((n_out, d_out), jnp.float32),
    )(parts, W, bias.reshape(1, d_out))


def kernel(x, edge_index, edge_weight, W, bias):
    n, d = x.shape
    e = edge_weight.shape[0]
    nw = NC * NS

    e_pad = ((e + nw * GK - 1) // (nw * GK)) * nw * GK
    pad = e_pad - e
    n_chunks = e_pad // (nw * GK)
    dst = jnp.pad(edge_index[0], (0, pad)).reshape(nw, n_chunks, GK)
    src = jnp.pad(edge_index[1], (0, pad)).reshape(nw, n_chunks, GK)
    ew = jnp.pad(edge_weight, (0, pad)).reshape(nw, n_chunks, GK)

    n_pad = ((n + NS * 8 - 1) // (NS * 8)) * NS * 8
    parts = _sc_aggregate(x, src, dst, ew, n_pad, d, n_chunks)
    return _tc_finish(parts, W, bias, n)

# --- scband reference (transcript-rebuilt; emitter-appended) ---
"""Pipeline reference for scband-graph-conv-31585189495343 (READ-ONLY COPY).

The authoritative reference and input builder live on the scoring server;
editing this copy changes nothing except your own understanding.
"""

import jax, jax.numpy as jnp
import numpy as np

N = 10000
E = 320000
D_IN = 128
D_OUT = 128


def setup_inputs(seed: int = 0) -> dict:
    key = jax.random.key(seed)
    k1, k2, k3, k4 = jax.random.split(key, 4)
    x = jax.random.normal(k1, (N, D_IN), dtype=jnp.float32)
    edge_index = jax.random.randint(k2, (2, E), 0, N, dtype=jnp.int32)
    edge_weight = jax.random.uniform(k3, (E,), dtype=jnp.float32)
    # Learned parameters sized per init_kwargs (xavier_uniform for weight, zeros for bias)
    limit = float(np.sqrt(6.0 / (D_IN + D_OUT)))
    W = jax.random.uniform(k4, (D_IN, D_OUT), minval=-limit, maxval=limit, dtype=jnp.float32)
    bias = jnp.zeros((D_OUT,), dtype=jnp.float32)
    return {"x": x, "edge_index": edge_index, "edge_weight": edge_weight, "W": W, "bias": bias}


def reference(x, edge_index, edge_weight, W, bias):
    # support = x @ W  (torch.mm(x, self.weight))
    support = jnp.dot(x, W)
    # sparse adj @ support: adj given in COO form (edge_index, edge_weight).
    # row i of output = sum_j adj[i, j] * support[j]
    dst = edge_index[0]
    src = edge_index[1]
    msgs = jnp.take(support, src, axis=0) * edge_weight[:, None]
    out = jax.ops.segment_sum(msgs, dst, num_segments=N)
    return out + bias

if __name__ == "__main__":
    import jax
    _d = setup_inputs()
    print(jax.jit(kernel)(*tuple(_d.values())))

</pallas_src>

<mosaic_0001>
#map = affine_map<(d0, d1) -> (0, 0)>
#map1 = affine_map<(d0, d1) -> (0, 0, 0)>
module attributes {stable_mosaic.version = 14 : i64} {
  func.func @agg_kernel(%arg0: i32, %arg1: i32, %arg2: memref<10000x128xf32, #tpu.memory_space<hbm>>, %arg3: memref<32x79x128xi32, #tpu.memory_space<hbm>>, %arg4: memref<32x79x128xi32, #tpu.memory_space<hbm>>, %arg5: memref<32x79x128xf32, #tpu.memory_space<hbm>>, %arg6: memref<2x10112x128xf32, #tpu.memory_space<hbm>>, %arg7: memref<10112x128xf32, #tpu.memory_space<vmem_shared>>, %arg8: memref<79x128xi32, #tpu.memory_space<vmem>>, %arg9: memref<79x128xi32, #tpu.memory_space<vmem>>, %arg10: memref<79x128xf32, #tpu.memory_space<vmem>>, %arg11: memref<128x128xf32, #tpu.memory_space<vmem>>) attributes {dimension_semantics = [#tpu.dimension_semantics<core_parallel>, #tpu.dimension_semantics<subcore_parallel>], iteration_bounds = array<i64: 2, 16>, scalar_prefetch = 0 : i64, scratch_operands = 5 : i64, tpu.core_type = #tpu.core_type<sc_vector_subcore>, window_params = [{transform_indices = #map}, {transform_indices = #map1}, {transform_indices = #map1}, {transform_indices = #map1}, {transform_indices = #map1}]} {
    %mul3A = arith.constant 16 : i32
    %mul3A_0 = arith.muli %arg0, %mul3A : i32
    %add3A = arith.addi %mul3A_0, %arg1 : i32
    %scan3A = arith.constant 0 : i32
    %scan3A_1 = arith.constant 128 : i32
    %scan3A_2 = arith.addi %scan3A, %scan3A_1 : i32
    %scan3A_3 = arith.constant 1 : i32
    scf.for %scan3A_24 = %scan3A to %scan3A_2 step %scan3A_3  : i32 {
      %mul3A_25 = arith.constant 1 : i32
      %mul3A_26 = arith.muli %scan3A_24, %mul3A_25 : i32
      %add3A_27 = arith.constant 0 : i32
      %add3A_28 = arith.addi %add3A_27, %mul3A_26 : i32
      %broadcast_in_dim3A = arith.constant 0.000000e+00 : f32
      %broadcast_in_dim3A_29 = vector.broadcast %broadcast_in_dim3A : f32 to vector<16xf32>
      %swap3A = arith.index_cast %add3A_28 : i32 to index
      %swap3A_30 = arith.constant 0 : index
      %swap3A_31 = tpu.vector_load %arg11[%swap3A, %swap3A_30] {strides = array<i32>} : memref<128x128xf32, #tpu.memory_space<vmem>>, vector<16xf32>,
      tpu.vector_store %arg11[%swap3A, %swap3A_30], %broadcast_in_dim3A_29 {strides = array<i32>} : memref<128x128xf32, #tpu.memory_space<vmem>>, vector<16xf32>,
      %broadcast_in_dim3A_32 = arith.constant 0.000000e+00 : f32
      %broadcast_in_dim3A_33 = vector.broadcast %broadcast_in_dim3A_32 : f32 to vector<16xf32>
      %swap3A_34 = arith.index_cast %add3A_28 : i32 to index
      %swap3A_35 = arith.constant 16 : index
      %swap3A_36 = tpu.vector_load %arg11[%swap3A_34, %swap3A_35] {strides = array<i32>} : memref<128x128xf32, #tpu.memory_space<vmem>>, vector<16xf32>,
      tpu.vector_store %arg11[%swap3A_34, %swap3A_35], %broadcast_in_dim3A_33 {strides = array<i32>} : memref<128x128xf32, #tpu.memory_space<vmem>>, vector<16xf32>,
      %broadcast_in_dim3A_37 = arith.constant 0.000000e+00 : f32
      %broadcast_in_dim3A_38 = vector.broadcast %broadcast_in_dim3A_37 : f32 to vector<16xf32>
      %swap3A_39 = arith.index_cast %add3A_28 : i32 to index
      %swap3A_40 = arith.constant 32 : index
      %swap3A_41 = tpu.vector_load %arg11[%swap3A_39, %swap3A_40] {strides = array<i32>} : memref<128x128xf32, #tpu.memory_space<vmem>>, vector<16xf32>,
      tpu.vector_store %arg11[%swap3A_39, %swap3A_40], %broadcast_in_dim3A_38 {strides = array<i32>} : memref<128x128xf32, #tpu.memory_space<vmem>>, vector<16xf32>,
      %broadcast_in_dim3A_42 = arith.constant 0.000000e+00 : f32
      %broadcast_in_dim3A_43 = vector.broadcast %broadcast_in_dim3A_42 : f32 to vector<16xf32>
      %swap3A_44 = arith.index_cast %add3A_28 : i32 to index
      %swap3A_45 = arith.constant 48 : index
      %swap3A_46 = tpu.vector_load %arg11[%swap3A_44, %swap3A_45] {strides = array<i32>} : memref<128x128xf32, #tpu.memory_space<vmem>>, vector<16xf32>,
      tpu.vector_store %arg11[%swap3A_44, %swap3A_45], %broadcast_in_dim3A_43 {strides = array<i32>} : memref<128x128xf32, #tpu.memory_space<vmem>>, vector<16xf32>,
      %broadcast_in_dim3A_47 = arith.constant 0.000000e+00 : f32
      %broadcast_in_dim3A_48 = vector.broadcast %broadcast_in_dim3A_47 : f32 to vector<16xf32>
      %swap3A_49 = arith.index_cast %add3A_28 : i32 to index
      %swap3A_50 = arith.constant 64 : index
      %swap3A_51 = tpu.vector_load %arg11[%swap3A_49, %swap3A_50] {strides = array<i32>} : memref<128x128xf32, #tpu.memory_space<vmem>>, vector<16xf32>,
      tpu.vector_store %arg11[%swap3A_49, %swap3A_50], %broadcast_in_dim3A_48 {strides = array<i32>} : memref<128x128xf32, #tpu.memory_space<vmem>>, vector<16xf32>,
      %broadcast_in_dim3A_52 = arith.constant 0.000000e+00 : f32
      %broadcast_in_dim3A_53 = vector.broadcast %broadcast_in_dim3A_52 : f32 to vector<16xf32>
      %swap3A_54 = arith.index_cast %add3A_28 : i32 to index
      %swap3A_55 = arith.constant 80 : index
      %swap3A_56 = tpu.vector_load %arg11[%swap3A_54, %swap3A_55] {strides = array<i32>} : memref<128x128xf32, #tpu.memory_space<vmem>>, vector<16xf32>,
      tpu.vector_store %arg11[%swap3A_54, %swap3A_55], %broadcast_in_dim3A_53 {strides = array<i32>} : memref<128x128xf32, #tpu.memory_space<vmem>>, vector<16xf32>,
      %broadcast_in_dim3A_57 = arith.constant 0.000000e+00 : f32
      %broadcast_in_dim3A_58 = vector.broadcast %broadcast_in_dim3A_57 : f32 to vector<16xf32>
      %swap3A_59 = arith.index_cast %add3A_28 : i32 to index
      %swap3A_60 = arith.constant 96 : index
      %swap3A_61 = tpu.vector_load %arg11[%swap3A_59, %swap3A_60] {strides = array<i32>} : memref<128x128xf32, #tpu.memory_space<vmem>>, vector<16xf32>,
      tpu.vector_store %arg11[%swap3A_59, %swap3A_60], %broadcast_in_dim3A_58 {strides = array<i32>} : memref<128x128xf32, #tpu.memory_space<vmem>>, vector<16xf32>,
      %broadcast_in_dim3A_62 = arith.constant 0.000000e+00 : f32
      %broadcast_in_dim3A_63 = vector.broadcast %broadcast_in_dim3A_62 : f32 to vector<16xf32>
      %swap3A_64 = arith.index_cast %add3A_28 : i32 to index
      %swap3A_65 = arith.constant 112 : index
      %swap3A_66 = tpu.vector_load %arg11[%swap3A_64, %swap3A_65] {strides = array<i32>} : memref<128x128xf32, #tpu.memory_space<vmem>>, vector<16xf32>,
      tpu.vector_store %arg11[%swap3A_64, %swap3A_65], %broadcast_in_dim3A_63 {strides = array<i32>} : memref<128x128xf32, #tpu.memory_space<vmem>>, vector<16xf32>,
    }
    %scan3A_4 = arith.constant 128 : i32
    %mul3A_5 = arith.constant 632 : i32
    %mul3A_6 = arith.muli %arg1, %mul3A_5 : i32
    %add3A_7 = arith.constant 0 : i32
    %add3A_8 = arith.addi %mul3A_6, %add3A_7 : i32
    "tpu.region"() ({
      %run_scoped3A = tpu.sem_alloc : memref<!tpu.dma_semaphore, #tpu.memory_space<semaphore_mem>>
      %dma_start3A = arith.constant 0 : i32
      %dma_start3A_24 = tpu.memref_slice %arg7[%add3A_8, %dma_start3A] : memref<10112x128xf32, #tpu.memory_space<vmem_shared>> -> memref<128x128xf32, #tpu.memory_space<vmem_shared>>
      %dma_start3A_25 = arith.constant 0 : i32
      %dma_start3A_26 = tpu.memref_slice %arg7[%add3A_8, %dma_start3A_25] : memref<10112x128xf32, #tpu.memory_space<vmem_shared>> -> memref<128x128xf32, #tpu.memory_space<vmem_shared>>
      tpu.enqueue_dma source(%arg11 : memref<128x128xf32, #tpu.memory_space<vmem>>) target(%dma_start3A_26 : memref<128x128xf32, #tpu.memory_space<vmem_shared>>) target_semaphore(%run_scoped3A : memref<!tpu.dma_semaphore, #tpu.memory_space<semaphore_mem>>)
      %dma_wait3A = arith.constant 0 : i32
      %dma_wait3A_27 = tpu.memref_slice %arg7[%add3A_8, %dma_wait3A] : memref<10112x128xf32, #tpu.memory_space<vmem_shared>> -> memref<128x128xf32, #tpu.memory_space<vmem_shared>>
      %dma_wait3A_28 = arith.constant 0 : i32
      %dma_wait3A_29 = tpu.memref_slice %arg7[%add3A_8, %dma_wait3A_28] : memref<10112x128xf32, #tpu.memory_space<vmem_shared>> -> memref<128x128xf32, #tpu.memory_space<vmem_shared>>
      tpu.wait_dma2 semaphore(%run_scoped3A : memref<!tpu.dma_semaphore, #tpu.memory_space<semaphore_mem>>) src(%arg11 : memref<128x128xf32, #tpu.memory_space<vmem>>) dst(%dma_wait3A_29 : memref<128x128xf32, #tpu.memory_space<vmem_shared>>)
      tpu.yield
    }) : () -> ()
    %add3A_9 = arith.constant 128 : i32
    %add3A_10 = arith.addi %mul3A_6, %add3A_9 : i32
    "tpu.region"() ({
      %run_scoped3A = tpu.sem_alloc : memref<!tpu.dma_semaphore, #tpu.memory_space<semaphore_mem>>
      %dma_start3A = arith.constant 0 : i32
      %dma_start3A_24 = tpu.memref_slice %arg7[%add3A_10, %dma_start3A] : memref<10112x128xf32, #tpu.memory_space<vmem_shared>> -> memref<128x128xf32, #tpu.memory_space<vmem_shared>>
      %dma_start3A_25 = arith.constant 0 : i32
      %dma_start3A_26 = tpu.memref_slice %arg7[%add3A_10, %dma_start3A_25] : memref<10112x128xf32, #tpu.memory_space<vmem_shared>> -> memref<128x128xf32, #tpu.memory_space<vmem_shared>>
      tpu.enqueue_dma source(%arg11 : memref<128x128xf32, #tpu.memory_space<vmem>>) target(%dma_start3A_26 : memref<128x128xf32, #tpu.memory_space<vmem_shared>>) target_semaphore(%run_scoped3A : memref<!tpu.dma_semaphore, #tpu.memory_space<semaphore_mem>>)
      %dma_wait3A = arith.constant 0 : i32
      %dma_wait3A_27 = tpu.memref_slice %arg7[%add3A_10, %dma_wait3A] : memref<10112x128xf32, #tpu.memory_space<vmem_shared>> -> memref<128x128xf32, #tpu.memory_space<vmem_shared>>
      %dma_wait3A_28 = arith.constant 0 : i32
      %dma_wait3A_29 = tpu.memref_slice %arg7[%add3A_10, %dma_wait3A_28] : memref<10112x128xf32, #tpu.memory_space<vmem_shared>> -> memref<128x128xf32, #tpu.memory_space<vmem_shared>>
      tpu.wait_dma2 semaphore(%run_scoped3A : memref<!tpu.dma_semaphore, #tpu.memory_space<semaphore_mem>>) src(%arg11 : memref<128x128xf32, #tpu.memory_space<vmem>>) dst(%dma_wait3A_29 : memref<128x128xf32, #tpu.memory_space<vmem_shared>>)
      tpu.yield
    }) : () -> ()
    %add3A_11 = arith.constant 256 : i32
    %add3A_12 = arith.addi %mul3A_6, %add3A_11 : i32
    "tpu.region"() ({
      %run_scoped3A = tpu.sem_alloc : memref<!tpu.dma_semaphore, #tpu.memory_space<semaphore_mem>>
      %dma_start3A = arith.constant 0 : i32
      %dma_start3A_24 = tpu.memref_slice %arg7[%add3A_12, %dma_start3A] : memref<10112x128xf32, #tpu.memory_space<vmem_shared>> -> memref<128x128xf32, #tpu.memory_space<vmem_shared>>
      %dma_start3A_25 = arith.constant 0 : i32
      %dma_start3A_26 = tpu.memref_slice %arg7[%add3A_12, %dma_start3A_25] : memref<10112x128xf32, #tpu.memory_space<vmem_shared>> -> memref<128x128xf32, #tpu.memory_space<vmem_shared>>
      tpu.enqueue_dma source(%arg11 : memref<128x128xf32, #tpu.memory_space<vmem>>) target(%dma_start3A_26 : memref<128x128xf32, #tpu.memory_space<vmem_shared>>) target_semaphore(%run_scoped3A : memref<!tpu.dma_semaphore, #tpu.memory_space<semaphore_mem>>)
      %dma_wait3A = arith.constant 0 : i32
      %dma_wait3A_27 = tpu.memref_slice %arg7[%add3A_12, %dma_wait3A] : memref<10112x128xf32, #tpu.memory_space<vmem_shared>> -> memref<128x128xf32, #tpu.memory_space<vmem_shared>>
      %dma_wait3A_28 = arith.constant 0 : i32
      %dma_wait3A_29 = tpu.memref_slice %arg7[%add3A_12, %dma_wait3A_28] : memref<10112x128xf32, #tpu.memory_space<vmem_shared>> -> memref<128x128xf32, #tpu.memory_space<vmem_shared>>
      tpu.wait_dma2 semaphore(%run_scoped3A : memref<!tpu.dma_semaphore, #tpu.memory_space<semaphore_mem>>) src(%arg11 : memref<128x128xf32, #tpu.memory_space<vmem>>) dst(%dma_wait3A_29 : memref<128x128xf32, #tpu.memory_space<vmem_shared>>)
      tpu.yield
    }) : () -> ()
    %add3A_13 = arith.constant 384 : i32
    %add3A_14 = arith.addi %mul3A_6, %add3A_13 : i32
    "tpu.region"() ({
      %run_scoped3A = tpu.sem_alloc : memref<!tpu.dma_semaphore, #tpu.memory_space<semaphore_mem>>
      %dma_start3A = arith.constant 0 : i32
      %dma_start3A_24 = tpu.memref_slice %arg7[%add3A_14, %dma_start3A] : memref<10112x128xf32, #tpu.memory_space<vmem_shared>> -> memref<128x128xf32, #tpu.memory_space<vmem_shared>>
      %dma_start3A_25 = arith.constant 0 : i32
      %dma_start3A_26 = tpu.memref_slice %arg7[%add3A_14, %dma_start3A_25] : memref<10112x128xf32, #tpu.memory_space<vmem_shared>> -> memref<128x128xf32, #tpu.memory_space<vmem_shared>>
      tpu.enqueue_dma source(%arg11 : memref<128x128xf32, #tpu.memory_space<vmem>>) target(%dma_start3A_26 : memref<128x128xf32, #tpu.memory_space<vmem_shared>>) target_semaphore(%run_scoped3A : memref<!tpu.dma_semaphore, #tpu.memory_space<semaphore_mem>>)
      %dma_wait3A = arith.constant 0 : i32
      %dma_wait3A_27 = tpu.memref_slice %arg7[%add3A_14, %dma_wait3A] : memref<10112x128xf32, #tpu.memory_space<vmem_shared>> -> memref<128x128xf32, #tpu.memory_space<vmem_shared>>
      %dma_wait3A_28 = arith.constant 0 : i32
      %dma_wait3A_29 = tpu.memref_slice %arg7[%add3A_14, %dma_wait3A_28] : memref<10112x128xf32, #tpu.memory_space<vmem_shared>> -> memref<128x128xf32, #tpu.memory_space<vmem_shared>>
      tpu.wait_dma2 semaphore(%run_scoped3A : memref<!tpu.dma_semaphore, #tpu.memory_space<semaphore_mem>>) src(%arg11 : memref<128x128xf32, #tpu.memory_space<vmem>>) dst(%dma_wait3A_29 : memref<128x128xf32, #tpu.memory_space<vmem_shared>>)
      tpu.yield
    }) : () -> ()
    %add3A_15 = arith.constant 632 : i32
    %add3A_16 = arith.addi %mul3A_6, %add3A_15 : i32
    %sub3A = arith.constant 120 : i32
    %sub3A_17 = arith.subi %add3A_16, %sub3A : i32
    "tpu.region"() ({
      %run_scoped3A = tpu.sem_alloc : memref<!tpu.dma_semaphore, #tpu.memory_space<semaphore_mem>>
      %dma_start3A = arith.constant 0 : i32
      %dma_start3A_24 = arith.constant 0 : i32
      %dma_start3A_25 = tpu.memref_slice %arg11[%dma_start3A, %dma_start3A_24] : memref<128x128xf32, #tpu.memory_space<vmem>> -> memref<120x128xf32, #tpu.memory_space<vmem>>
      %dma_start3A_26 = arith.constant 0 : i32
      %dma_start3A_27 = tpu.memref_slice %arg7[%sub3A_17, %dma_start3A_26] : memref<10112x128xf32, #tpu.memory_space<vmem_shared>> -> memref<120x128xf32, #tpu.memory_space<vmem_shared>>
      %dma_start3A_28 = arith.constant 0 : i32
      %dma_start3A_29 = tpu.memref_slice %arg7[%sub3A_17, %dma_start3A_28] : memref<10112x128xf32, #tpu.memory_space<vmem_shared>> -> memref<120x128xf32, #tpu.memory_space<vmem_shared>>
      %dma_start3A_30 = arith.constant 0 : i32
      %dma_start3A_31 = arith.constant 0 : i32
      %dma_start3A_32 = tpu.memref_slice %arg11[%dma_start3A_30, %dma_start3A_31] : memref<128x128xf32, #tpu.memory_space<vmem>> -> memref<120x128xf32, #tpu.memory_space<vmem>>
      tpu.enqueue_dma source(%dma_start3A_32 : memref<120x128xf32, #tpu.memory_space<vmem>>) target(%dma_start3A_29 : memref<120x128xf32, #tpu.memory_space<vmem_shared>>) target_semaphore(%run_scoped3A : memref<!tpu.dma_semaphore, #tpu.memory_space<semaphore_mem>>)
      %dma_wait3A = arith.constant 0 : i32
      %dma_wait3A_33 = arith.constant 0 : i32
      %dma_wait3A_34 = tpu.memref_slice %arg11[%dma_wait3A, %dma_wait3A_33] : memref<128x128xf32, #tpu.memory_space<vmem>> -> memref<120x128xf32, #tpu.memory_space<vmem>>
      %dma_wait3A_35 = arith.constant 0 : i32
      %dma_wait3A_36 = tpu.memref_slice %arg7[%sub3A_17, %dma_wait3A_35] : memref<10112x128xf32, #tpu.memory_space<vmem_shared>> -> memref<120x128xf32, #tpu.memory_space<vmem_shared>>
      %dma_wait3A_37 = arith.constant 0 : i32
      %dma_wait3A_38 = tpu.memref_slice %arg7[%sub3A_17, %dma_wait3A_37] : memref<10112x128xf32, #tpu.memory_space<vmem_shared>> -> memref<120x128xf32, #tpu.memory_space<vmem_shared>>
      %dma_wait3A_39 = arith.constant 0 : i32
      %dma_wait3A_40 = arith.constant 0 : i32
      %dma_wait3A_41 = tpu.memref_slice %arg11[%dma_wait3A_39, %dma_wait3A_40] : memref<128x128xf32, #tpu.memory_space<vmem>> -> memref<120x128xf32, #tpu.memory_space<vmem>>
      tpu.wait_dma2 semaphore(%run_scoped3A : memref<!tpu.dma_semaphore, #tpu.memory_space<semaphore_mem>>) src(%dma_wait3A_41 : memref<120x128xf32, #tpu.memory_space<vmem>>) dst(%dma_wait3A_38 : memref<120x128xf32, #tpu.memory_space<vmem_shared>>)
      tpu.yield
    }) : () -> ()
    %barrier3A = arith.constant 0 : index
    tpu.barrier barrier_id(%barrier3A)
    "tpu.region"() ({
      %run_scoped3A = tpu.sem_alloc : memref<!tpu.dma_semaphore, #tpu.memory_space<semaphore_mem>>
      %dma_start3A = arith.constant 0 : i32
      %dma_start3A_24 = arith.constant 0 : i32
      %dma_start3A_25 = tpu.memref_slice %arg3[%add3A, %dma_start3A, %dma_start3A_24] : memref<32x79x128xi32, #tpu.memory_space<hbm>> -> memref<1x79x128xi32, #tpu.memory_space<hbm>>
      %dma_start3A_26 = tpu.memref_squeeze %dma_start3A_25 : memref<1x79x128xi32, #tpu.memory_space<hbm>> -> memref<79x128xi32, #tpu.memory_space<hbm>>
      %dma_start3A_27 = arith.constant 0 : i32
      %dma_start3A_28 = arith.constant 0 : i32
      %dma_start3A_29 = tpu.memref_slice %arg3[%add3A, %dma_start3A_27, %dma_start3A_28] : memref<32x79x128xi32, #tpu.memory_space<hbm>> -> memref<1x79x128xi32, #tpu.memory_space<hbm>>
      %dma_start3A_30 = tpu.memref_squeeze %dma_start3A_29 : memref<1x79x128xi32, #tpu.memory_space<hbm>> -> memref<79x128xi32, #tpu.memory_space<hbm>>
      tpu.enqueue_dma source(%dma_start3A_30 : memref<79x128xi32, #tpu.memory_space<hbm>>) target(%arg8 : memref<79x128xi32, #tpu.memory_space<vmem>>) target_semaphore(%run_scoped3A : memref<!tpu.dma_semaphore, #tpu.memory_space<semaphore_mem>>)
      %dma_wait3A = arith.constant 0 : i32
      %dma_wait3A_31 = arith.constant 0 : i32
      %dma_wait3A_32 = tpu.memref_slice %arg3[%add3A, %dma_wait3A, %dma_wait3A_31] : memref<32x79x128xi32, #tpu.memory_space<hbm>> -> memref<1x79x128xi32, #tpu.memory_space<hbm>>
      %dma_wait3A_33 = tpu.memref_squeeze %dma_wait3A_32 : memref<1x79x128xi32, #tpu.memory_space<hbm>> -> memref<79x128xi32, #tpu.memory_space<hbm>>
      %dma_wait3A_34 = arith.constant 0 : i32
      %dma_wait3A_35 = arith.constant 0 : i32
      %dma_wait3A_36 = tpu.memref_slice %arg3[%add3A, %dma_wait3A_34, %dma_wait3A_35] : memref<32x79x128xi32, #tpu.memory_space<hbm>> -> memref<1x79x128xi32, #tpu.memory_space<hbm>>
      %dma_wait3A_37 = tpu.memref_squeeze %dma_wait3A_36 : memref<1x79x128xi32, #tpu.memory_space<hbm>> -> memref<79x128xi32, #tpu.memory_space<hbm>>
      tpu.wait_dma2 semaphore(%run_scoped3A : memref<!tpu.dma_semaphore, #tpu.memory_space<semaphore_mem>>) src(%dma_wait3A_37 : memref<79x128xi32, #tpu.memory_space<hbm>>) dst(%arg8 : memref<79x128xi32, #tpu.memory_space<vmem>>)
      tpu.yield
    }) : () -> ()
    "tpu.region"() ({
      %run_scoped3A = tpu.sem_alloc : memref<!tpu.dma_semaphore, #tpu.memory_space<semaphore_mem>>
      %dma_start3A = arith.constant 0 : i32
      %dma_start3A_24 = arith.constant 0 : i32
      %dma_start3A_25 = tpu.memref_slice %arg4[%add3A, %dma_start3A, %dma_start3A_24] : memref<32x79x128xi32, #tpu.memory_space<hbm>> -> memref<1x79x128xi32, #tpu.memory_space<hbm>>
      %dma_start3A_26 = tpu.memref_squeeze %dma_start3A_25 : memref<1x79x128xi32, #tpu.memory_space<hbm>> -> memref<79x128xi32, #tpu.memory_space<hbm>>
      %dma_start3A_27 = arith.constant 0 : i32
      %dma_start3A_28 = arith.constant 0 : i32
      %dma_start3A_29 = tpu.memref_slice %arg4[%add3A, %dma_start3A_27, %dma_start3A_28] : memref<32x79x128xi32, #tpu.memory_space<hbm>> -> memref<1x79x128xi32, #tpu.memory_space<hbm>>
      %dma_start3A_30 = tpu.memref_squeeze %dma_start3A_29 : memref<1x79x128xi32, #tpu.memory_space<hbm>> -> memref<79x128xi32, #tpu.memory_space<hbm>>
      tpu.enqueue_dma source(%dma_start3A_30 : memref<79x128xi32, #tpu.memory_space<hbm>>) target(%arg9 : memref<79x128xi32, #tpu.memory_space<vmem>>) target_semaphore(%run_scoped3A : memref<!tpu.dma_semaphore, #tpu.memory_space<semaphore_mem>>)
      %dma_wait3A = arith.constant 0 : i32
      %dma_wait3A_31 = arith.constant 0 : i32
      %dma_wait3A_32 = tpu.memref_slice %arg4[%add3A, %dma_wait3A, %dma_wait3A_31] : memref<32x79x128xi32, #tpu.memory_space<hbm>> -> memref<1x79x128xi32, #tpu.memory_space<hbm>>
      %dma_wait3A_33 = tpu.memref_squeeze %dma_wait3A_32 : memref<1x79x128xi32, #tpu.memory_space<hbm>> -> memref<79x128xi32, #tpu.memory_space<hbm>>
      %dma_wait3A_34 = arith.constant 0 : i32
      %dma_wait3A_35 = arith.constant 0 : i32
      %dma_wait3A_36 = tpu.memref_slice %arg4[%add3A, %dma_wait3A_34, %dma_wait3A_35] : memref<32x79x128xi32, #tpu.memory_space<hbm>> -> memref<1x79x128xi32, #tpu.memory_space<hbm>>
      %dma_wait3A_37 = tpu.memref_squeeze %dma_wait3A_36 : memref<1x79x128xi32, #tpu.memory_space<hbm>> -> memref<79x128xi32, #tpu.memory_space<hbm>>
      tpu.wait_dma2 semaphore(%run_scoped3A : memref<!tpu.dma_semaphore, #tpu.memory_space<semaphore_mem>>) src(%dma_wait3A_37 : memref<79x128xi32, #tpu.memory_space<hbm>>) dst(%arg9 : memref<79x128xi32, #tpu.memory_space<vmem>>)
      tpu.yield
    }) : () -> ()
    "tpu.region"() ({
      %run_scoped3A = tpu.sem_alloc : memref<!tpu.dma_semaphore, #tpu.memory_space<semaphore_mem>>
      %dma_start3A = arith.constant 0 : i32
      %dma_start3A_24 = arith.constant 0 : i32
      %dma_start3A_25 = tpu.memref_slice %arg5[%add3A, %dma_start3A, %dma_start3A_24] : memref<32x79x128xf32, #tpu.memory_space<hbm>> -> memref<1x79x128xf32, #tpu.memory_space<hbm>>
      %dma_start3A_26 = tpu.memref_squeeze %dma_start3A_25 : memref<1x79x128xf32, #tpu.memory_space<hbm>> -> memref<79x128xf32, #tpu.memory_space<hbm>>
      %dma_start3A_27 = arith.constant 0 : i32
      %dma_start3A_28 = arith.constant 0 : i32
      %dma_start3A_29 = tpu.memref_slice %arg5[%add3A, %dma_start3A_27, %dma_start3A_28] : memref<32x79x128xf32, #tpu.memory_space<hbm>> -> memref<1x79x128xf32, #tpu.memory_space<hbm>>
      %dma_start3A_30 = tpu.memref_squeeze %dma_start3A_29 : memref<1x79x128xf32, #tpu.memory_space<hbm>> -> memref<79x128xf32, #tpu.memory_space<hbm>>
      tpu.enqueue_dma source(%dma_start3A_30 : memref<79x128xf32, #tpu.memory_space<hbm>>) target(%arg10 : memref<79x128xf32, #tpu.memory_space<vmem>>) target_semaphore(%run_scoped3A : memref<!tpu.dma_semaphore, #tpu.memory_space<semaphore_mem>>)
      %dma_wait3A = arith.constant 0 : i32
      %dma_wait3A_31 = arith.constant 0 : i32
      %dma_wait3A_32 = tpu.memref_slice %arg5[%add3A, %dma_wait3A, %dma_wait3A_31] : memref<32x79x128xf32, #tpu.memory_space<hbm>> -> memref<1x79x128xf32, #tpu.memory_space<hbm>>
      %dma_wait3A_33 = tpu.memref_squeeze %dma_wait3A_32 : memref<1x79x128xf32, #tpu.memory_space<hbm>> -> memref<79x128xf32, #tpu.memory_space<hbm>>
      %dma_wait3A_34 = arith.constant 0 : i32
      %dma_wait3A_35 = arith.constant 0 : i32
      %dma_wait3A_36 = tpu.memref_slice %arg5[%add3A, %dma_wait3A_34, %dma_wait3A_35] : memref<32x79x128xf32, #tpu.memory_space<hbm>> -> memref<1x79x128xf32, #tpu.memory_space<hbm>>
      %dma_wait3A_37 = tpu.memref_squeeze %dma_wait3A_36 : memref<1x79x128xf32, #tpu.memory_space<hbm>> -> memref<79x128xf32, #tpu.memory_space<hbm>>
      tpu.wait_dma2 semaphore(%run_scoped3A : memref<!tpu.dma_semaphore, #tpu.memory_space<semaphore_mem>>) src(%dma_wait3A_37 : memref<79x128xf32, #tpu.memory_space<hbm>>) dst(%arg10 : memref<79x128xf32, #tpu.memory_space<vmem>>)
      tpu.yield
    }) : () -> ()
    %scan3A_18 = arith.constant 0 : i32
    %scan3A_19 = arith.constant 79 : i32
    %scan3A_20 = arith.addi %scan3A_18, %scan3A_19 : i32
    %scan3A_21 = arith.constant 1 : i32
    scf.for %scan3A_24 = %scan3A_18 to %scan3A_20 step %scan3A_21  : i32 {
      %mul3A_25 = arith.constant 1 : i32
      %mul3A_26 = arith.muli %scan3A_24, %mul3A_25 : i32
      %add3A_27 = arith.constant 0 : i32
      %add3A_28 = arith.addi %add3A_27, %mul3A_26 : i32
      "tpu.region"() ({
        %run_scoped3A = tpu.sem_alloc : memref<!tpu.dma_semaphore, #tpu.memory_space<semaphore_mem>>
        %dma_start3A = arith.constant 0 : i32
        %dma_start3A_34 = tpu.memref_slice %arg8[%add3A_28, %dma_start3A] : memref<79x128xi32, #tpu.memory_space<vmem>> -> memref<1x128xi32, #tpu.memory_space<vmem>>
        %dma_start3A_35 = tpu.memref_squeeze %dma_start3A_34 : memref<1x128xi32, #tpu.memory_space<vmem>> -> memref<128xi32, #tpu.memory_space<vmem>>
        %dma_start3A_36 = arith.constant 0 : i32
        %dma_start3A_37 = arith.constant 0 : i32
        %dma_start3A_38 = tpu.memref_slice %arg2[%dma_start3A_36, %dma_start3A_37] : memref<10000x128xf32, #tpu.memory_space<hbm>> -> memref<10000x128xf32, #tpu.memory_space<hbm>>
        tpu.enqueue_indirect_dma source(%dma_start3A_38 : memref<10000x128xf32, #tpu.memory_space<hbm>>) target(%arg11 : memref<128x128xf32, #tpu.memory_space<vmem>>) offsets(%dma_start3A_35 : memref<128xi32, #tpu.memory_space<vmem>>) semaphore(%run_scoped3A : memref<!tpu.dma_semaphore, #tpu.memory_space<semaphore_mem>>)
        %dma_wait3A = arith.constant 0 : i32
        %dma_wait3A_39 = tpu.memref_slice %arg8[%add3A_28, %dma_wait3A] : memref<79x128xi32, #tpu.memory_space<vmem>> -> memref<1x128xi32, #tpu.memory_space<vmem>>
        %dma_wait3A_40 = tpu.memref_squeeze %dma_wait3A_39 : memref<1x128xi32, #tpu.memory_space<vmem>> -> memref<128xi32, #tpu.memory_space<vmem>>
        %dma_wait3A_41 = arith.constant 0 : i32
        %dma_wait3A_42 = arith.constant 0 : i32
        %dma_wait3A_43 = tpu.memref_slice %arg2[%dma_wait3A_41, %dma_wait3A_42] : memref<10000x128xf32, #tpu.memory_space<hbm>> -> memref<10000x128xf32, #tpu.memory_space<hbm>>
        tpu.wait_indirect_dma semaphore(%run_scoped3A : memref<!tpu.dma_semaphore, #tpu.memory_space<semaphore_mem>>) src(%dma_wait3A_43 : memref<10000x128xf32, #tpu.memory_space<hbm>>) dst(%arg11 : memref<128x128xf32, #tpu.memory_space<vmem>>)
        tpu.yield
      }) : () -> ()
      %scan3A_29 = arith.constant 0 : i32
      %scan3A_30 = arith.constant 128 : i32
      %scan3A_31 = arith.addi %scan3A_29, %scan3A_30 : i32
      %scan3A_32 = arith.constant 1 : i32
      scf.for %scan3A_34 = %scan3A_29 to %scan3A_31 step %scan3A_32  : i32 {
        %mul3A_35 = arith.constant 1 : i32
        %mul3A_36 = arith.muli %scan3A_34, %mul3A_35 : i32
        %add3A_37 = arith.constant 0 : i32
        %add3A_38 = arith.addi %add3A_37, %mul3A_36 : i32
        %broadcast_in_dim3A = vector.broadcast %add3A_28 : i32 to vector<16xi32>
        %broadcast_in_dim3A_39 = vector.broadcast %add3A_38 : i32 to vector<16xi32>
        %gather3A = tpu.vector_load_idx %arg10[%broadcast_in_dim3A, %broadcast_in_dim3A_39] : memref<79x128xf32, #tpu.memory_space<vmem>>[vector<16xi32>, vector<16xi32>], vector<16xf32>,
        %get3A = arith.index_cast %add3A_38 : i32 to index
        %get3A_40 = arith.constant 0 : index
        %get3A_41 = tpu.vector_load %arg11[%get3A, %get3A_40] {strides = array<i32>} : memref<128x128xf32, #tpu.memory_space<vmem>>, vector<16xf32>,
        %mul3A_42 = arith.mulf %get3A_41, %gather3A : vector<16xf32>
        %swap3A = arith.index_cast %add3A_38 : i32 to index
        %swap3A_43 = arith.constant 0 : index
        %swap3A_44 = tpu.vector_load %arg11[%swap3A, %swap3A_43] {strides = array<i32>} : memref<128x128xf32, #tpu.memory_space<vmem>>, vector<16xf32>,
        tpu.vector_store %arg11[%swap3A, %swap3A_43], %mul3A_42 {strides = array<i32>} : memref<128x128xf32, #tpu.memory_space<vmem>>, vector<16xf32>,
        %get3A_45 = arith.index_cast %add3A_38 : i32 to index
        %get3A_46 = arith.constant 16 : index
        %get3A_47 = tpu.vector_load %arg11[%get3A_45, %get3A_46] {strides = array<i32>} : memref<128x128xf32, #tpu.memory_space<vmem>>, vector<16xf32>,
        %mul3A_48 = arith.mulf %get3A_47, %gather3A : vector<16xf32>
        %swap3A_49 = arith.index_cast %add3A_38 : i32 to index
        %swap3A_50 = arith.constant 16 : index
        %swap3A_51 = tpu.vector_load %arg11[%swap3A_49, %swap3A_50] {strides = array<i32>} : memref<128x128xf32, #tpu.memory_space<vmem>>, vector<16xf32>,
        tpu.vector_store %arg11[%swap3A_49, %swap3A_50], %mul3A_48 {strides = array<i32>} : memref<128x128xf32, #tpu.memory_space<vmem>>, vector<16xf32>,
        %get3A_52 = arith.index_cast %add3A_38 : i32 to index
        %get3A_53 = arith.constant 32 : index
        %get3A_54 = tpu.vector_load %arg11[%get3A_52, %get3A_53] {strides = array<i32>} : memref<128x128xf32, #tpu.memory_space<vmem>>, vector<16xf32>,
        %mul3A_55 = arith.mulf %get3A_54, %gather3A : vector<16xf32>
        %swap3A_56 = arith.index_cast %add3A_38 : i32 to index
        %swap3A_57 = arith.constant 32 : index
        %swap3A_58 = tpu.vector_load %arg11[%swap3A_56, %swap3A_57] {strides = array<i32>} : memref<128x128xf32, #tpu.memory_space<vmem>>, vector<16xf32>,
        tpu.vector_store %arg11[%swap3A_56, %swap3A_57], %mul3A_55 {strides = array<i32>} : memref<128x128xf32, #tpu.memory_space<vmem>>, vector<16xf32>,
        %get3A_59 = arith.index_cast %add3A_38 : i32 to index
        %get3A_60 = arith.constant 48 : index
        %get3A_61 = tpu.vector_load %arg11[%get3A_59, %get3A_60] {strides = array<i32>} : memref<128x128xf32, #tpu.memory_space<vmem>>, vector<16xf32>,
        %mul3A_62 = arith.mulf %get3A_61, %gather3A : vector<16xf32>
        %swap3A_63 = arith.index_cast %add3A_38 : i32 to index
        %swap3A_64 = arith.constant 48 : index
        %swap3A_65 = tpu.vector_load %arg11[%swap3A_63, %swap3A_64] {strides = array<i32>} : memref<128x128xf32, #tpu.memory_space<vmem>>, vector<16xf32>,
        tpu.vector_store %arg11[%swap3A_63, %swap3A_64], %mul3A_62 {strides = array<i32>} : memref<128x128xf32, #tpu.memory_space<vmem>>, vector<16xf32>,
        %get3A_66 = arith.index_cast %add3A_38 : i32 to index
        %get3A_67 = arith.constant 64 : index
        %get3A_68 = tpu.vector_load %arg11[%get3A_66, %get3A_67] {strides = array<i32>} : memref<128x128xf32, #tpu.memory_space<vmem>>, vector<16xf32>,
        %mul3A_69 = arith.mulf %get3A_68, %gather3A : vector<16xf32>
        %swap3A_70 = arith.index_cast %add3A_38 : i32 to index
        %swap3A_71 = arith.constant 64 : index
        %swap3A_72 = tpu.vector_load %arg11[%swap3A_70, %swap3A_71] {strides = array<i32>} : memref<128x128xf32, #tpu.memory_space<vmem>>, vector<16xf32>,
        tpu.vector_store %arg11[%swap3A_70, %swap3A_71], %mul3A_69 {strides = array<i32>} : memref<128x128xf32, #tpu.memory_space<vmem>>, vector<16xf32>,
        %get3A_73 = arith.index_cast %add3A_38 : i32 to index
        %get3A_74 = arith.constant 80 : index
        %get3A_75 = tpu.vector_load %arg11[%get3A_73, %get3A_74] {strides = array<i32>} : memref<128x128xf32, #tpu.memory_space<vmem>>, vector<16xf32>,
        %mul3A_76 = arith.mulf %get3A_75, %gather3A : vector<16xf32>
        %swap3A_77 = arith.index_cast %add3A_38 : i32 to index
        %swap3A_78 = arith.constant 80 : index
        %swap3A_79 = tpu.vector_load %arg11[%swap3A_77, %swap3A_78] {strides = array<i32>} : memref<128x128xf32, #tpu.memory_space<vmem>>, vector<16xf32>,
        tpu.vector_store %arg11[%swap3A_77, %swap3A_78], %mul3A_76 {strides = array<i32>} : memref<128x128xf32, #tpu.memory_space<vmem>>, vector<16xf32>,
        %get3A_80 = arith.index_cast %add3A_38 : i32 to index
        %get3A_81 = arith.constant 96 : index
        %get3A_82 = tpu.vector_load %arg11[%get3A_80, %get3A_81] {strides = array<i32>} : memref<128x128xf32, #tpu.memory_space<vmem>>, vector<16xf32>,
        %mul3A_83 = arith.mulf %get3A_82, %gather3A : vector<16xf32>
        %swap3A_84 = arith.index_cast %add3A_38 : i32 to index
        %swap3A_85 = arith.constant 96 : index
        %swap3A_86 = tpu.vector_load %arg11[%swap3A_84, %swap3A_85] {strides = array<i32>} : memref<128x128xf32, #tpu.memory_space<vmem>>, vector<16xf32>,
        tpu.vector_store %arg11[%swap3A_84, %swap3A_85], %mul3A_83 {strides = array<i32>} : memref<128x128xf32, #tpu.memory_space<vmem>>, vector<16xf32>,
        %get3A_87 = arith.index_cast %add3A_38 : i32 to index
        %get3A_88 = arith.constant 112 : index
        %get3A_89 = tpu.vector_load %arg11[%get3A_87, %get3A_88] {strides = array<i32>} : memref<128x128xf32, #tpu.memory_space<vmem>>, vector<16xf32>,
        %mul3A_90 = arith.mulf %get3A_89, %gather3A : vector<16xf32>
        %swap3A_91 = arith.index_cast %add3A_38 : i32 to index
        %swap3A_92 = arith.constant 112 : index
        %swap3A_93 = tpu.vector_load %arg11[%swap3A_91, %swap3A_92] {strides = array<i32>} : memref<128x128xf32, #tpu.memory_space<vmem>>, vector<16xf32>,
        tpu.vector_store %arg11[%swap3A_91, %swap3A_92], %mul3A_90 {strides = array<i32>} : memref<128x128xf32, #tpu.memory_space<vmem>>, vector<16xf32>,
      }
      %scan3A_33 = arith.constant 128 : i32
      "tpu.region"() ({
        %run_scoped3A = tpu.sem_alloc : memref<!tpu.dma_semaphore, #tpu.memory_space<semaphore_mem>>
        %dma_start3A = arith.constant 0 : i32
        %dma_start3A_34 = tpu.memref_slice %arg9[%add3A_28, %dma_start3A] : memref<79x128xi32, #tpu.memory_space<vmem>> -> memref<1x128xi32, #tpu.memory_space<vmem>>
        %dma_start3A_35 = tpu.memref_squeeze %dma_start3A_34 : memref<1x128xi32, #tpu.memory_space<vmem>> -> memref<128xi32, #tpu.memory_space<vmem>>
        %dma_start3A_36 = arith.constant 0 : i32
        %dma_start3A_37 = arith.constant 0 : i32
        %dma_start3A_38 = tpu.memref_slice %arg7[%dma_start3A_36, %dma_start3A_37] : memref<10112x128xf32, #tpu.memory_space<vmem_shared>> -> memref<10112x128xf32, #tpu.memory_space<vmem_shared>>
        tpu.enqueue_indirect_dma source(%arg11 : memref<128x128xf32, #tpu.memory_space<vmem>>) target(%dma_start3A_38 : memref<10112x128xf32, #tpu.memory_space<vmem_shared>>) offsets(%dma_start3A_35 : memref<128xi32, #tpu.memory_space<vmem>>) semaphore(%run_scoped3A : memref<!tpu.dma_semaphore, #tpu.memory_space<semaphore_mem>>) {add = true}
        %dma_wait3A = arith.constant 0 : i32
        %dma_wait3A_39 = tpu.memref_slice %arg9[%add3A_28, %dma_wait3A] : memref<79x128xi32, #tpu.memory_space<vmem>> -> memref<1x128xi32, #tpu.memory_space<vmem>>
        %dma_wait3A_40 = tpu.memref_squeeze %dma_wait3A_39 : memref<1x128xi32, #tpu.memory_space<vmem>> -> memref<128xi32, #tpu.memory_space<vmem>>
        %dma_wait3A_41 = arith.constant 0 : i32
        %dma_wait3A_42 = arith.constant 0 : i32
        %dma_wait3A_43 = tpu.memref_slice %arg7[%dma_wait3A_41, %dma_wait3A_42] : memref<10112x128xf32, #tpu.memory_space<vmem_shared>> -> memref<10112x128xf32, #tpu.memory_space<vmem_shared>>
        tpu.wait_indirect_dma semaphore(%run_scoped3A : memref<!tpu.dma_semaphore, #tpu.memory_space<semaphore_mem>>) src(%arg11 : memref<128x128xf32, #tpu.memory_space<vmem>>) dst(%dma_wait3A_43 : memref<10112x128xf32, #tpu.memory_space<vmem_shared>>)
        tpu.yield
      }) : () -> ()
    }
    %scan3A_22 = arith.constant 79 : i32
    %barrier3A_23 = arith.constant 0 : index
    tpu.barrier barrier_id(%barrier3A_23)
    "tpu.region"() ({
      %run_scoped3A = tpu.sem_alloc : memref<!tpu.dma_semaphore, #tpu.memory_space<semaphore_mem>>
      %dma_start3A = arith.constant 0 : i32
      %dma_start3A_24 = arith.constant 0 : i32
      %dma_start3A_25 = tpu.memref_slice %arg6[%arg0, %dma_start3A, %dma_start3A_24] : memref<2x10112x128xf32, #tpu.memory_space<hbm>> -> memref<1x10112x128xf32, #tpu.memory_space<hbm>>
      %dma_start3A_26 = tpu.memref_squeeze %dma_start3A_25 : memref<1x10112x128xf32, #tpu.memory_space<hbm>> -> memref<10112x128xf32, #tpu.memory_space<hbm>>
      %dma_start3A_27 = arith.constant 0 : i32
      %dma_start3A_28 = tpu.memref_slice %dma_start3A_26[%mul3A_6, %dma_start3A_27] : memref<10112x128xf32, #tpu.memory_space<hbm>> -> memref<632x128xf32, #tpu.memory_space<hbm>>
      %dma_start3A_29 = arith.constant 0 : i32
      %dma_start3A_30 = tpu.memref_slice %arg7[%mul3A_6, %dma_start3A_29] : memref<10112x128xf32, #tpu.memory_space<vmem_shared>> -> memref<632x128xf32, #tpu.memory_space<vmem_shared>>
      tpu.enqueue_dma source(%dma_start3A_30 : memref<632x128xf32, #tpu.memory_space<vmem_shared>>) target(%dma_start3A_28 : memref<632x128xf32, #tpu.memory_space<hbm>>) target_semaphore(%run_scoped3A : memref<!tpu.dma_semaphore, #tpu.memory_space<semaphore_mem>>)
      %dma_wait3A = arith.constant 0 : i32
      %dma_wait3A_31 = arith.constant 0 : i32
      %dma_wait3A_32 = tpu.memref_slice %arg6[%arg0, %dma_wait3A, %dma_wait3A_31] : memref<2x10112x128xf32, #tpu.memory_space<hbm>> -> memref<1x10112x128xf32, #tpu.memory_space<hbm>>
      %dma_wait3A_33 = tpu.memref_squeeze %dma_wait3A_32 : memref<1x10112x128xf32, #tpu.memory_space<hbm>> -> memref<10112x128xf32, #tpu.memory_space<hbm>>
      %dma_wait3A_34 = arith.constant 0 : i32
      %dma_wait3A_35 = tpu.memref_slice %dma_wait3A_33[%mul3A_6, %dma_wait3A_34] : memref<10112x128xf32, #tpu.memory_space<hbm>> -> memref<632x128xf32, #tpu.memory_space<hbm>>
      %dma_wait3A_36 = arith.constant 0 : i32
      %dma_wait3A_37 = tpu.memref_slice %arg7[%mul3A_6, %dma_wait3A_36] : memref<10112x128xf32, #tpu.memory_space<vmem_shared>> -> memref<632x128xf32, #tpu.memory_space<vmem_shared>>
      tpu.wait_dma2 semaphore(%run_scoped3A : memref<!tpu.dma_semaphore, #tpu.memory_space<semaphore_mem>>) src(%dma_wait3A_37 : memref<632x128xf32, #tpu.memory_space<vmem_shared>>) dst(%dma_wait3A_35 : memref<632x128xf32, #tpu.memory_space<hbm>>)
      tpu.yield
    }) : () -> ()
    return
  }
}

module attributes {stable_mosaic.version = 14 : i64} {
  func.func @body(%arg0: i32, %arg1: memref<2x1000x128xf32, #tpu.memory_space<vmem>>, %arg2: memref<128x128xf32, #tpu.memory_space<vmem>>, %arg3: memref<1x128xf32, #tpu.memory_space<vmem>>, %arg4: memref<1000x128xf32, #tpu.memory_space<vmem>>) attributes {dimension_semantics = [#tpu.dimension_semantics<arbitrary>], iteration_bounds = array<i64: 10>, scalar_prefetch = 0 : i64, scratch_operands = 0 : i64, tpu.core_type = #tpu.core_type<tc>, window_params = [{transform_indices = @transform_0, window_bounds = array<i64: 2, 1000, 128>}, {pipeline_mode = #tpu.pipeline_mode<synchronous>, transform_indices = @transform_1, window_bounds = array<i64: 128, 128>}, {pipeline_mode = #tpu.pipeline_mode<synchronous>, transform_indices = @transform_2, window_bounds = array<i64: 1, 128>}, {transform_indices = @transform_3, window_bounds = array<i64: 1000, 128>}]} {
    %get3A = arith.constant 0 : index
    %get3A_0 = arith.constant 0 : index
    %get3A_1 = arith.constant 0 : index
    %get3A_2 = vector.load %arg1[%get3A, %get3A_0, %get3A_1] : memref<2x1000x128xf32, #tpu.memory_space<vmem>>, vector<1x1000x128xf32>
    %get3A_3 = vector.shape_cast %get3A_2 : vector<1x1000x128xf32> to vector<1000x128xf32>
    %get3A_4 = arith.constant 1 : index
    %get3A_5 = arith.constant 0 : index
    %get3A_6 = arith.constant 0 : index
    %get3A_7 = vector.load %arg1[%get3A_4, %get3A_5, %get3A_6] : memref<2x1000x128xf32, #tpu.memory_space<vmem>>, vector<1x1000x128xf32>
    %get3A_8 = vector.shape_cast %get3A_7 : vector<1x1000x128xf32> to vector<1000x128xf32>
    %add3A = arith.addf %get3A_3, %get3A_8 : vector<1000x128xf32>
    %get3A_9 = arith.constant 0 : index
    %get3A_10 = arith.constant 0 : index
    %get3A_11 = vector.load %arg2[%get3A_9, %get3A_10] : memref<128x128xf32, #tpu.memory_space<vmem>>, vector<128x128xf32>
    %dot_general3A = arith.constant dense<0.000000e+00> : vector<1000x128xf32>
    %dot_general3A_12 = tpu.matmul %add3A, %get3A_11, %dot_general3A {dimension_numbers = #tpu.dot_dimension_numbers<[1], [0], [0], [1], [0, 0, 1, 1], [], []>, transpose_lhs_hint = false} : vector<1000x128xf32>, vector<128x128xf32>, vector<1000x128xf32> -> vector<1000x128xf32>
    %get3A_13 = arith.constant 0 : index
    %get3A_14 = arith.constant 0 : index
    %get3A_15 = vector.load %arg3[%get3A_13, %get3A_14] : memref<1x128xf32, #tpu.memory_space<vmem>>, vector<1x128xf32>
    %add3A_16 = vector.broadcast %get3A_15 : vector<1x128xf32> to vector<1000x128xf32>
    %add3A_17 = arith.addf %dot_general3A_12, %add3A_16 : vector<1000x128xf32>
    %swap3A = arith.constant 0 : index
    %swap3A_18 = arith.constant 0 : index
    %swap3A_19 = vector.load %arg4[%swap3A, %swap3A_18] : memref<1000x128xf32, #tpu.memory_space<vmem>>, vector<1000x128xf32>
    tpu.vector_store %arg4[%swap3A, %swap3A_18], %add3A_17 {strides = array<i32>} : memref<1000x128xf32, #tpu.memory_space<vmem>>, vector<1000x128xf32>,
    return
  }
  func.func @transform_0(%arg0: i32) -> (i32, i32, i32) {
    %c0_i32 = arith.constant 0 : i32
    %c0_i32_0 = arith.constant 0 : i32
    %c0_i32_1 = arith.constant 0 : i32
    return %c0_i32, %arg0, %c0_i32_0 : i32, i32, i32
  }
  func.func @transform_1(%arg0: i32) -> (i32, i32) {
    %c0_i32 = arith.constant 0 : i32
    %c0_i32_0 = arith.constant 0 : i32
    %c0_i32_1 = arith.constant 0 : i32
    return %c0_i32, %c0_i32_0 : i32, i32
  }
  func.func @transform_2(%arg0: i32) -> (i32, i32) {
    %c0_i32 = arith.constant 0 : i32
    %c0_i32_0 = arith.constant 0 : i32
    %c0_i32_1 = arith.constant 0 : i32
    return %c0_i32, %c0_i32_0 : i32, i32
  }
  func.func @transform_3(%arg0: i32) -> (i32, i32) {
    %c0_i32 = arith.constant 0 : i32
    %c0_i32_0 = arith.constant 0 : i32
    return %arg0, %c0_i32 : i32, i32
  }
}

</mosaic_0001>

<sc_bundles>
// kernel: kernel.4.cloned.1.call-start
scs
__scs_entry_jumppad:
0x0: {  	(pc) =	sbr.rel $0x88, $3  }
0x1: {  	(tag) =	ssettag $0x0;
	lr =	simm.s32 $0x1  }
0x2: {  	[smem:$0x3F9C] =	sst lr;
	_ =	strace $0xD0000000  }
0x3: {  	_ = 	snop  }
0x4: {  	_ = 	snop  }
0x5: {  	_ = 	snop  }
0x6: {  	_ = 	snop  }
0x7: {  	_ = 	snop  }
__scs_overlays_trampoline_lowered:
0x8: {  	[smem:$0x3FAB] =	sst s0  }
0x9: {  	[smem:$0x3FAC] =	sst s1  }
0xa: {  	[smem:$0x3FAD] =	sst s2  }
0xb: {  	[smem:$0x3FAE] =	sst s3  }
0xc: {  	[smem:$0x3FAF] =	sst s4  }
0xd: {  	[smem:$0x3FB0] =	sst s5  }
0xe: {  	[smem:$0x3FB1] =	sst s6  }
0xf: {  	[smem:$0x3FB2] =	sst s7  }
0x10: {  	[smem:$0x3FB3] =	sst s8  }
0x11: {  	[smem:$0x3FB4] =	sst s9;
	s0 =	simm.s32 @!p0 $0x0  }
0x12: {  	s1 =	sld [smem:$0x3F9A];
	s0 =	simm.s32 @p0 $0x1  }
0x13: {  	[smem:$0x3FB5] =	sst s0;
	s0 =	simm.s32 @!p1 $0x0  }
0x14: {  	s2 =	sld [smem:$0x3F99];
	s0 =	simm.s32 @p1 $0x1  }
0x15: {  	[smem:$0x3FB6] =	sst s0;
	s0 =	simm.s32 @!p2 $0x0  }
0x16: {  	s3 =	sld [smem:$0x3FDB];
	s0 =	simm.s32 @p2 $0x1  }
0x17: {  	s4 =	simm.s32 $0x1BF5;
	[smem:$0x3FB8] =	sst s0  }
0x18: {  	s0 =	sld [smem:$0x3F9B];
	_ =	swait.ge [sflag:s4], $0x0  }
0x19: {  	s7 =	sld [smem:$0x3F9C]  }
0x1a: {  	s8 =	sadd.s32 $0xFFFFE003, lr  }
0x1b: {  	s9 =	sadd.s32 $0xFFFFFEF7, lr;
	s5 =	simm.s32 $0xFFFFFFFF;
	p2 =	slt.u32 s8, $0xFFFFF086  }
0x1c: {  	p1 =	slt.u32 s9, $0xF7A;
	s5 =	simm.s32 @!p2 $0x0  }
0x1d: {  	s5 =	simm.s32 @p1 $0x1;
	p0 =	seq.s32 s7, s2  }
0x1e: {  	s7 =	smul.u32 @!p0 $0xF7A, s2;
	p2 =	seq.s32 @!p0 s5, $0x0  }
0x1f: {  	s9 =	smul.u32 $0xF7A, s1;
	s8 =	simm.s32 @!p0 $0x1BF5;
	p2 =	por !p2, p0  }
0x20: {  	[sflag:s8] =	ssyncset.s32 @!p0 $0xFFFFF086;
	s6 =	sadd.s32 @!p0 s3, s7;
	s7 =	simm.s32 @!p0 $0x108  }
0x21: {  	s3 =	sadd.s32 s3, s9;
	s6 =	sadd.s32 @!p0 $0x88, s6;
	s7 =	simm.s32 @p2 $0x1082  }
0x22: {  	[simem:s7], [sflag:s8] =	dma.local @!p0 [hbm:s6], $0xF7A  }
0x23: {  	s9 =	sor.u32 $0xD0000000, s2;
	s6 =	simm.s32 $0x108;
	_ =	swait.ge @!p0 [sflag:s8], $0x0  }
0x24: {  	s3 =	sadd.s32 $0x88, s3;
	s6 =	simm.s32 @!p1 $0x1082;
	[sflag:s4] =	ssyncset.s32 $0xFFFFF086  }
0x25: {  	[simem:s6], [sflag:s4] =	dma.local [hbm:s3], $0xF7A  }
0x26: {  	[smem:$0x3F9C] =	sst s1;
	(tag) =	ssettag s2;
	_ =	strace s9  }
0x27: {  	s1 =	sld [smem:$0x3FAC]  }
0x28: {  	s2 =	sld [smem:$0x3FAD]  }
0x29: {  	s4 =	sld [smem:$0x3FAF]  }
0x2a: {  	p0 =	seq.s32 s5, $0x0;
	s5 =	sld [smem:$0x3FB0]  }
0x2b: {  	s6 =	sld [smem:$0x3FB1]  }
0x2c: {  	s7 =	sld [smem:$0x3FB2]  }
0x2d: {  	s3 =	simm.s32 $0x108;
	s8 =	sld [smem:$0x3FB3]  }
0x2e: {  	s3 =	simm.s32 @!p0 $0x1082;
	s9 =	sld [smem:$0x3FB4]  }
0x2f: {  	lr =	sadd.s32 s0, s3;
	s0 =	sld [smem:$0x3FAB]  }
0x30: {  	s3 =	sld [smem:$0x3FAE]  }
0x31: {  	[smem:$0x3FB7] =	sst s10  }
0x32: {  	s10 =	sld [smem:$0x3FB5];
	_ =	sdelay $0x3  }
0x33: {  	p0 =	seq.s32 s10, $0x1;
	s10 =	sld [smem:$0x3FB7];
	_ =	sdelay $0x3  }
0x34: {  	[smem:$0x3FB7] =	sst s10  }
0x35: {  	s10 =	sld [smem:$0x3FB6];
	_ =	sdelay $0x3  }
0x36: {  	p1 =	seq.s32 s10, $0x1;
	s10 =	sld [smem:$0x3FB7];
	_ =	sdelay $0x3  }
0x37: {  	[smem:$0x3FB7] =	sst s10  }
0x38: {  	s10 =	sld [smem:$0x3FB8]  }
0x39: {  	_ = 	snop;
	(pc) =	sbr.ind lr, $3  }
0x3a: {  	_ = 	snop  }
0x3b: {  	_ = 	snop  }
0x3c: {  	p2 =	seq.s32 s10, $0x1;
	s10 =	sld [smem:$0x3FB7]  }
0x3d: {  	_ =	shalt  }
0x3e: {  	_ =	shalt  }
0x3f: {  	_ =	shalt  }
0x40: {  	_ =	shalt  }
0x41: {  	_ =	shalt  }
0x42: {  	_ =	shalt  }
0x43: {  	_ =	shalt  }
0x44: {  	_ =	shalt  }
0x45: {  	_ =	shalt  }
0x46: {  	_ =	shalt  }
0x47: {  	_ =	shalt  }
0x48: {  	_ =	shalt  }
0x49: {  	_ =	shalt  }
0x4a: {  	_ =	shalt  }
0x4b: {  	_ =	shalt  }
0x4c: {  	_ =	shalt  }
0x4d: {  	_ =	shalt  }
0x4e: {  	_ =	shalt  }
0x4f: {  	_ =	shalt  }
0x50: {  	_ =	shalt  }
0x51: {  	_ =	shalt  }
0x52: {  	_ =	shalt  }
0x53: {  	_ =	shalt  }
0x54: {  	_ =	shalt  }
0x55: {  	_ =	shalt  }
0x56: {  	_ =	shalt  }
0x57: {  	_ =	shalt  }
0x58: {  	_ =	shalt  }
0x59: {  	_ =	shalt  }
0x5a: {  	_ =	shalt  }
0x5b: {  	_ =	shalt  }
0x5c: {  	_ =	shalt  }
0x5d: {  	_ =	shalt  }
0x5e: {  	_ =	shalt  }
0x5f: {  	_ =	shalt  }
0x60: {  	_ =	shalt  }
0x61: {  	_ =	shalt  }
0x62: {  	_ =	shalt  }
0x63: {  	_ =	shalt  }
0x64: {  	_ =	shalt  }
0x65: {  	_ =	shalt  }
0x66: {  	_ =	shalt  }
0x67: {  	_ =	shalt  }
0x68: {  	_ =	shalt  }
0x69: {  	_ =	shalt  }
0x6a: {  	_ =	shalt  }
0x6b: {  	_ =	shalt  }
0x6c: {  	_ =	shalt  }
0x6d: {  	_ =	shalt  }
0x6e: {  	_ =	shalt  }
0x6f: {  	_ =	shalt  }
0x70: {  	_ =	shalt  }
0x71: {  	_ =	shalt  }
0x72: {  	_ =	shalt  }
0x73: {  	_ =	shalt  }
0x74: {  	_ =	shalt  }
0x75: {  	_ =	shalt  }
0x76: {  	_ =	shalt  }
0x77: {  	_ =	shalt  }
0x78: {  	_ =	shalt  }
0x79: {  	_ =	shalt  }
0x7a: {  	_ =	shalt  }
0x7b: {  	_ =	shalt  }
0x7c: {  	_ =	shalt  }
0x7d: {  	_ =	shalt  }
0x7e: {  	_ =	shalt  }
0x7f: {  	_ =	shalt  }
0x80: {  	_ =	shalt  }
0x81: {  	_ =	shalt  }
0x82: {  	_ =	shalt  }
0x83: {  	_ =	shalt  }
0x84: {  	_ =	shalt  }
0x85: {  	_ =	shalt  }
0x86: {  	_ =	shalt  }
0x87: {  	_ =	shalt  }
.Lfunc_end0:
.L_simem_size_0:
called_computation_lowered:
.L_overlay_start_0:
0x88: {  	s2 =	sld [smem:$0x3FD9]  }
0x89: {  	s3 =	sld [smem:$0x3FFE];
	_ =	sdelay $0x1  }
0x8a: {  	s1 =	srdreg.scid  }
0x8b: {  	s0 =	sand.u32 $0x1, s1  }
0x8c: {  	s17 =	sshll.u32 s0, $0xA;
	s2 =	sadd.s32 s3, s2  }
0x8d: {  	s2 =	sadd.s32 s2, s17  }
0x8e: {  	[smem:$0x3FC3] =	sst s2  }
0x8f: {  	_ = 	snop  }
0x90: {  	s2 =	sld [smem:$0x3FC9]  }
0x91: {  	s18 =	sld [smem:$0x3FD0];
	(tm) =	ssettm $0x1  }
0x92: {  	s4 =	sld [smem:$0x3FFB];
	_ =	sdelay $0x3  }
0x93: {  	_ =	strace s4  }
0x94: {  	s4 =	sld [smem:$0x3FFC];
	_ =	sdelay $0x3  }
0x95: {  	_ =	strace s4  }
0x96: {  	s4 =	sld [smem:$0x3FFD];
	_ =	sdelay $0x3  }
0x97: {  	_ =	strace s4  }
0x98: {  	_ =	strace $0x8FFFFFFF  }
0x99: {  	s19 =	sld [smem:$0x3FDB];
	_ =	sdelay $0x1  }
0x9a: {  	s5 =	simm.s32 $_scs_section_size  }
0x9b: {  	s6 =	simm.s32 $_size__tile_overlayer_lowered;
	s7 =	simm.s32 $_tile_overlayer_lowered  }
0x9c: {  	s22 =	simm.s32 $0x1BFF;
	s21 =	sshll.u32 s7, $0x1;
	s4 =	sadd.s32 s5, s19  }
0x9d: {  	s8 =	simm.s32 $0x0;
	s20 =	sshll.u32 s6, $0x1;
	s6 =	sadd.s32 s21, s4  }
0x9e: {  	[timem:s8], [sflag:s22] =	dma.local [hbm:s6], s20  }
0x9f: {  	_ =	swait.ge [sflag:s22], s20  }
0xa0: {  	s5 =	ssub.s32 $0x0, s20;
	[sflag:s22] =	ssyncset.done $0x0  }
0xa1: {  	[sflag:s22] =	ssyncadd.s32 s5;
	_ =	sdelay $0x1  }
0xa2: {  	s23 =	simm.s32 $0x1B8B  }
0xa3: {  	_ =	swait.ge [sflag:s23], $0x1  }
0xa4: {  	[sflag:s23] =	ssyncset.done $0x0  }
0xa5: {  	s25 =	simm.s32 $0x1B8E;
	s24 =	sld [smem:$0x3FFE];
	[sflag:s23] =	ssyncadd.s32 $0xFFFFFFFF  }
0xa6: {  	s26 =	simm.s32 $execute0_lowered;
	[smem:$0x3FD2] =	sst s25  }
0xa7: {  	s6 =	sshll.u32 s26, $0x1;
	_ =	strace $0x80000046;
	[dreg:$0x1] =	wrdreg $0xFFFFFFFF  }
0xa8: {  	s28 =	simm.s32 $_size_execute0_lowered;
	s4 =	sadd.s32 s4, s6;
	[dreg:$0x0] =	wrdreg $0x0  }
0xa9: {  	s6 =	sshll.u32 s28, $0x1;
	[dreg:$0x2] =	wrdreg s4  }
0xaa: {  	[dreg:$0x3] =	wrdreg s6  }
0xab: {  	[dreg:$0x4] =	wrdreg $0xC0  }
0xac: {  	_ =	task [dreg:s8], $0x5FFFF  }
0xad: {  	[dreg:$0x1] =	wrdreg $0xFFFFFFFF  }
0xae: {  	[dreg:$0x0] =	wrdreg $0x60  }
0xaf: {  	[dreg:$0x2] =	wrdreg s2  }
0xb0: {  	[dreg:$0x3] =	wrdreg s18  }
0xb1: {  	[dreg:$0x4] =	wrdreg s24  }
0xb2: {  	[dreg:$0x5] =	wrdreg $0x0  }
0xb3: {  	[dreg:$0x6] =	wrdreg $0x9  }
0xb4: {  	_ =	task.clear_ibuf [dreg:s8], $0x7FFFF;
	_ =	strace $0x90000046  }
0xb5: {  	s29 =	simm.s32 $0x9;
	_ =	strace $0x80000048  }
0xb6: {  	_ =	swait.ge [sflag:s29], $0x1  }
0xb7: {  	[sflag:s29] =	ssyncadd.s32 $0xFFFFFFFF  }
0xb8: {  	_ =	strace $0x90000048  }
0xb9: {  	_ =	sfence  }
0xba: {  	s30 =	sld [smem:$0x0];
	_ =	sdelay $0x2  }
0xbb: {  	s31 =	sshll.u32 s1, $0xD;
	s1 =	sshrl.u32 s1, $0x2  }
0xbc: {  	s3 =	sand.u32 $0x4000, s31;
	s1 =	sadd.s32 s1, s30  }
0xbd: {  	s0 =	sor.u32 s3, s0;
	s1 =	sshll.u32 s1, $0x11  }
0xbe: {  	s0 =	sor.u32 s1, s0  }
0xbf: {  	s0 =	sadd.s32 $0x8F2B, s0  }
0xc0: {  	[sflag:s0] =	ssyncadd.remote.s32 $0x1  }
0xc1: {  	_ =	sfence.sel $0xFFFF  }
0xc2: {  	[dreg:$0x0] =	wrdreg $0xFFFFFFFF;
	(pc) =	sbr.abs _section_cstart, $3  }
0xc3: {  	[dreg:$0x1] =	wrdreg $0xFFFFFFFF  }
0xc4: {  	_ =	task.clear_ibuf [dreg:s8], $0x2FFFF;
	_ =	strace $0x9FFFFFFF  }
0xc5: {  	(tm) =	ssettm $0x7FFFFFFF  }
tec
execute0_lowered:
.L_overlay_start_1:
0x0: {  	(tag) =	ssettag $0x1  }
0x1: {  	s0 =	rddreg [dreg:$0x0]  }
0x2: {  	s10 =	rddreg [dreg:$0x1]  }
0x3: {  	s1 =	srdreg.scid;
	s6 =	rddreg [dreg:$0x2]  }
0x4: {  	s3 =	rddreg [dreg:$0x3];
	s4 =	simm.s32 $0x0;
	s15 =	simm.s32 $0x1  }
0x5: {  	s16 =	simm.s32 $0x13C00;
	s5 =	sand.u32 $0x1, s1;
	s1 =	stileid.u32  }
0x6: {  	s17 =	simm.s32 $0x16400;
	s18 =	simm.s32 $0x18C00;
	s29 =	smul.u32 $0x4F000, s1  }
0x7: {  	s19 =	simm.s32 $0x80;
	[smem:$0x7FF] =	sst s4;
	s8 =	smul.u32 $0x27800, s5  }
0x8: {  	s2 =	sshll.u32 s5, $0x4;
	s9 =	ssub.s32 $0x2, s5;
	s21 =	smul.u32 $0x2780, s1  }
0x9: {  	s7 =	sor.u32 s1, s2;
	s2 =	rddreg [dreg:$0x4];
	_ =	strace $0x80000047  }
0xa: {  	s31 =	sshrl.u32 s9, $0x1;
	s11 =	smul.u32 $0x500, s7;
	s30 =	sshrl.u32 s29, $0x2  }
0xb: {  	s13 =	sadd.s32 s8, s6;
	s14 =	ssub.s32 s9, s31;
	s5 =	sadd.s32 s30, s3  }
0xc: {  	s20 =	sadd.s32 $0x14400, s13;
	s13 =	smax.u32 s14, $0x1;
	s14 =	simm.s32 $0x1B400  }
0xd: {  	s12 =	sadd.s32 s11, s6;
	s6 =	sadd.s32 $0x4000, s5;
	s7 =	sadd.s32 $0x8000, s5  }
0xe: {  	s8 =	sadd.s32 $0xC000, s5;
	s9 =	sadd.s32 $0x10000, s5;
	s10 =	sadd.s32 s10, s11  }
0xf: {  	v0 =	vimm.f32 $0.0e+00;
	s20 =	sadd.s32 s21, s20;
	s11 =	sadd.s32 $0xA400, s12;
	s12 =	sadd.s32 $0x400, s12  }
.LBB2_1:
0x10: {  	s21 =	simm.s32 $0x0;
	s22 =	simm.s32 $0x200  }
.LBB2_2:
0x11: {  	p0 =	sne.s32 s22, $0xFE00;
	[tilespmem:s21+$0x1B470] =	vst v0  }
0x12: {  	[tilespmem:s21+$0x1B400] =	vst v0  }
0x13: {  	[tilespmem:s21+$0x1B410] =	vst v0  }
.Ltmp0:
0x14: {  	[tilespmem:s21+$0x1B420] =	vst v0;
	(pc) =	sbr.rel @p0 .LBB2_2-.Ltmp0, $4  }
0x15: {  	[tilespmem:s21+$0x1B430] =	vst v0  }
0x16: {  	[tilespmem:s21+$0x1B440] =	vst v0  }
0x17: {  	[tilespmem:s21+$0x1B450] =	vst v0  }
0x18: {  	[tilespmem:s21+$0x1B460] =	vst v0;
	s21 =	sshra.s32 s22, $0x2;
	s22 =	sadd.s32 $0x200, s22  }
0x19: {  	[tilespmem:s21+$0x1B470] =	vst v0  }
0x1a: {  	[tilespmem:s21+$0x1B400] =	vst v0  }
0x1b: {  	[tilespmem:s21+$0x1B410] =	vst v0  }
0x1c: {  	[tilespmem:s21+$0x1B420] =	vst v0  }
0x1d: {  	[tilespmem:s21+$0x1B430] =	vst v0  }
0x1e: {  	[tilespmem:s21+$0x1B440] =	vst v0  }
0x1f: {  	[tilespmem:s21+$0x1B450] =	vst v0  }
0x20: {  	[tilespmem:s21+$0x1B460] =	vst v0  }
0x21: {  	[spmem:s5] =	stream.linear.scatter [tilespmem:s14], [sflag:$0x1], $0x4000, $0x38;
	[tilespmem:$0x1F400] =	vst v63  }
0x22: {  	_ =	swait.ge [sflag:s15], $0x4000  }
0x23: {  	[sflag:s15] =	ssyncset.done $0x0  }
0x24: {  	[sflag:s15] =	ssyncadd.s32 $0xFFFFC000  }
0x25: {  	[spmem:s6] =	stream.linear.scatter [tilespmem:s14], [sflag:$0x1], $0x4000, $0x38;
	[tilespmem:$0x1F400] =	vst v63  }
0x26: {  	_ =	swait.ge [sflag:s15], $0x4000  }
0x27: {  	[sflag:s15] =	ssyncset.done $0x0  }
0x28: {  	[sflag:s15] =	ssyncadd.s32 $0xFFFFC000  }
0x29: {  	[spmem:s7] =	stream.linear.scatter [tilespmem:s14], [sflag:$0x1], $0x4000, $0x38;
	[tilespmem:$0x1F400] =	vst v63  }
0x2a: {  	_ =	swait.ge [sflag:s15], $0x4000  }
0x2b: {  	[sflag:s15] =	ssyncset.done $0x0  }
0x2c: {  	[sflag:s15] =	ssyncadd.s32 $0xFFFFC000  }
0x2d: {  	[spmem:s8] =	stream.linear.scatter [tilespmem:s14], [sflag:$0x1], $0x4000, $0x38;
	[tilespmem:$0x1F400] =	vst v63  }
0x2e: {  	_ =	swait.ge [sflag:s15], $0x4000  }
0x2f: {  	[sflag:s15] =	ssyncset.done $0x0  }
0x30: {  	[sflag:s15] =	ssyncadd.s32 $0xFFFFC000  }
0x31: {  	[spmem:s9] =	stream.linear.scatter [tilespmem:s14], [sflag:$0x1], $0x3C00, $0x38;
	[tilespmem:$0x1F400] =	vst v63  }
0x32: {  	_ =	swait.ge [sflag:s15], $0x3C00  }
0x33: {  	[sflag:s15] =	ssyncset.done $0x0  }
0x34: {  	[sflag:s15] =	ssyncadd.s32 $0xFFFFC400  }
0x35: {  	s21 =	simm.s32 $0x0;
	[bflag:$0x0] =	sbarrier.arrive $0xFFFF  }
0x36: {  	[tilespmem:s16], [sflag:$0x1] =	stream.linear.gather [hbm4b:s10+s21], $0x2780, $0x38;
	[tilespmem:$0x1F400] =	vst v63  }
0x37: {  	_ =	swait.ge [sflag:s15], $0x2780  }
0x38: {  	[sflag:s15] =	ssyncset.done $0x0  }
0x39: {  	[sflag:s15] =	ssyncadd.s32 $0xFFFFD880  }
0x3a: {  	[tilespmem:s17], [sflag:$0x1] =	stream.linear.gather [hbm4b:s11+s21], $0x2780, $0x38;
	[tilespmem:$0x1F400] =	vst v63  }
0x3b: {  	_ =	swait.ge [sflag:s15], $0x2780  }
0x3c: {  	[sflag:s15] =	ssyncset.done $0x0  }
0x3d: {  	[sflag:s15] =	ssyncadd.s32 $0xFFFFD880  }
0x3e: {  	[tilespmem:s18], [sflag:$0x1] =	stream.linear.gather [hbm4b:s12+s21], $0x2780, $0x38;
	[tilespmem:$0x1F400] =	vst v63  }
0x3f: {  	_ =	swait.ge [sflag:s15], $0x2780  }
0x40: {  	[sflag:s15] =	ssyncset.done $0x0  }
0x41: {  	s22 =	simm.s32 $0x0;
	[sflag:s15] =	ssyncadd.s32 $0xFFFFD880  }
.LBB2_4:
0x42: {  	s23 =	sshll.u32 s22, $0x7;
	v2 =	vmov s21  }
0x43: {  	s24 =	sadd.s32 $0x13C00, s23;
	v1 =	vmov s23;
	v2 =	vand.u32 $0x7F, v2  }
0x44: {  	[tilespmem:s14], [sflag:$0x1] =	stream.indirect.gather [hbm4b:s0+s19], $0x80, s24, s19, $0xb8;
	v2 =	vadd.s32 v1, v2;
	[tilespmem:$0x1F400] =	vst v63  }
0x45: {  	_ =	swait.ge [sflag:s15], $0x4000;
	v2 =	vbroadcast v2, $0x0  }
0x46: {  	[sflag:s15] =	ssyncset.done $0x0  }
0x47: {  	s24 =	simm.s32 $0x1B440;
	[sflag:s15] =	ssyncadd.s32 $0xFFFFC000  }
0x48: {  	v6 =	vld [tilespmem:s24+$0x30]  }
0x49: {  	v9 =	vld [tilespmem:s24+$0x10]  }
0x4a: {  	v7 =	vld [tilespmem:s24+$0xFFFFFFC0]  }
0x4b: {  	v3 =	vld.idx.msk [tilespmem:v2+s18+$0x0], $0xffff  }
0x4c: {  	v12 =	vld [tilespmem:s24+$0xFFFFFFE0]  }
0x4d: {  	v4 =	vld [tilespmem:s24+$0x20]  }
0x4e: {  	v5 =	vld [tilespmem:s24+$0xFFFFFFD0]  }
0x4f: {  	v2 =	vld [tilespmem:s24+$0xFFFFFFF0]  }
0x50: {  	v10 =	vmul.f32 v6, v3;
	v6 =	vld [tilespmem:s24+$0x0]  }
0x51: {  	s25 =	simm.s32 $0x1;
	v8 =	vmul.f32 v7, v3  }
0x52: {  	s26 =	simm.s32 $0x2;
	v11 =	vmov s25;
	s25 =	simm.s32 $0x1B440;
	v7 =	vmul.f32 v12, v3;
	v9 =	vmul.f32 v9, v3  }
.LBB2_5:
0x53: {  	p0 =	sne.s32 s26, $0x7F  }
0x54: {  	v11 =	vand.u32 $0x7F, v11;
	v5 =	vmul.f32 v5, v3;
	v4 =	vmul.f32 v4, v3;
	[tilespmem:s24+$0x30] =	vst v10;
	s25 =	sadd.s32 $0x80, s25;
	s28 =	smov.u32 s26;
	s26 =	sadd.s32 $0x1, s26  }
0x55: {  	v10 =	vadd.s32 v1, v11;
	[tilespmem:s24+$0xFFFFFFC0] =	vst v8;
	v8 =	vmul.f32 v2, v3;
	v3 =	vmul.f32 v6, v3  }
0x56: {  	v6 =	vbroadcast v10, $0x0;
	[tilespmem:s24+$0x10] =	vst v9  }
0x57: {  	[tilespmem:s24+$0xFFFFFFE0] =	vst v7  }
0x58: {  	v2 =	vld [tilespmem:s25+$0xFFFFFFF0];
	[tilespmem:s24+$0xFFFFFFF0] =	vst v8  }
0x59: {  	v7 =	vld [tilespmem:s25+$0x30];
	[tilespmem:s24+$0x0] =	vst v3  }
0x5a: {  	v9 =	vld [tilespmem:s25+$0x10];
	[tilespmem:s24+$0x20] =	vst v4  }
0x5b: {  	v8 =	vld [tilespmem:s25+$0xFFFFFFC0];
	[tilespmem:s24+$0xFFFFFFD0] =	vst v5;
	s24 =	smov.u32 s25  }
0x5c: {  	v3 =	vld.idx.msk [tilespmem:v6+s18+$0x0], $0xffff  }
0x5d: {  	v12 =	vld [tilespmem:s25+$0xFFFFFFE0]  }
0x5e: {  	v4 =	vld [tilespmem:s25+$0x20]  }
.Ltmp1:
0x5f: {  	v5 =	vld [tilespmem:s25+$0xFFFFFFD0];
	(pc) =	sbr.rel @p0 .LBB2_5-.Ltmp1, $3  }
0x60: {  	v6 =	vld [tilespmem:s25+$0x0];
	_ =	sdelay $0x1  }
0x61: {  	v8 =	vmul.f32 v8, v3;
	v10 =	vmul.f32 v7, v3  }
0x62: {  	v11 =	vmov s28;
	v9 =	vmul.f32 v9, v3;
	v7 =	vmul.f32 v12, v3  }
0x63: {  	[tilespmem:s24+$0x30] =	vst v10;
	v58 =	vand.u32 $0x7F, v11  }
0x64: {  	[tilespmem:s24+$0xFFFFFFC0] =	vst v8;
	v1 =	vadd.s32 v1, v58  }
0x65: {  	v2 =	vmul.f32 v2, v3;
	[tilespmem:s24+$0x10] =	vst v9;
	v1 =	vbroadcast v1, $0x0  }
0x66: {  	s25 =	sadd.s32 $0x80, s25;
	[tilespmem:s24+$0xFFFFFFE0] =	vst v7;
	v6 =	vmul.f32 v6, v3  }
0x67: {  	v4 =	vmul.f32 v4, v3;
	v3 =	vmul.f32 v5, v3;
	v7 =	vld [tilespmem:s25+$0xFFFFFFF0];
	[tilespmem:s24+$0xFFFFFFF0] =	vst v2  }
0x68: {  	v2 =	vld [tilespmem:s25+$0x30];
	[tilespmem:s24+$0x0] =	vst v6  }
0x69: {  	v60 =	vld [tilespmem:s25+$0xFFFFFFC0];
	[tilespmem:s24+$0xFFFFFFD0] =	vst v3  }
0x6a: {  	v59 =	vld [tilespmem:s25+$0x10];
	[tilespmem:s24+$0x20] =	vst v4  }
0x6b: {  	v1 =	vld.idx.msk [tilespmem:v1+s18+$0x0], $0xffff;
	_ =	sdelay $0x2  }
0x6c: {  	v6 =	vld [tilespmem:s25+$0x0]  }
0x6d: {  	v3 =	vld [tilespmem:s25+$0xFFFFFFE0]  }
0x6e: {  	v2 =	vmul.f32 v2, v1  }
0x6f: {  	v61 =	vld [tilespmem:s25+$0x20];
	v4 =	vmul.f32 v60, v1  }
0x70: {  	v62 =	vld [tilespmem:s25+$0xFFFFFFD0];
	v5 =	vmul.f32 v59, v1;
	[tilespmem:s25+$0x30] =	vst v2  }
0x71: {  	v63 =	vmul.f32 v6, v1;
	[tilespmem:s25+$0xFFFFFFC0] =	vst v4  }
0x72: {  	v2 =	vmul.f32 v3, v1;
	[tilespmem:s25+$0x10] =	vst v5  }
0x73: {  	v3 =	vmul.f32 v7, v1;
	[tilespmem:s25+$0x0] =	vst v63  }
0x74: {  	[tilespmem:s25+$0xFFFFFFE0] =	vst v2;
	v2 =	vmul.f32 v61, v1  }
0x75: {  	s22 =	sadd.s32 $0x1, s22;
	[tilespmem:s25+$0xFFFFFFF0] =	vst v3;
	v1 =	vmul.f32 v62, v1  }
0x76: {  	p0 =	sne.s32 s22, $0x4F;
	[tilespmem:s25+$0x20] =	vst v2  }
.Ltmp2:
0x77: {  	s23 =	sadd.s32 $0x16400, s23;
	[tilespmem:s25+$0xFFFFFFD0] =	vst v1;
	(pc) =	sbr.rel @p0 .LBB2_4-.Ltmp2, $4  }
0x78: {  	[spmem:s3] =	stream.indirect.scatter.add.f32 [tilespmem:s14], [sflag:$0x1], $0x80, s23, s19, $0xb8;
	[tilespmem:$0x1F400] =	vst v63  }
0x79: {  	_ =	swait.ge [sflag:s15], $0x4000  }
0x7a: {  	[sflag:s15] =	ssyncset.done $0x0  }
0x7b: {  	[sflag:s15] =	ssyncadd.s32 $0xFFFFC000  }
0x7c: {  	s4 =	sadd.s32 $0x1, s4  }
0x7d: {  	s21 =	sshll.u32 s1, $0x6;
	[bflag:$0x0] =	sbarrier.arrive $0xFFFF;
	p0 =	sne.s32 s4, s13  }
.Ltmp3:
0x7e: {  	s22 =	sshrl.u32 s5, $0x3;
	s21 =	sor.u32 $0x1C01, s21;
	(pc) =	sbr.rel @p0 .LBB2_1-.Ltmp3, $4  }
0x7f: {  	[hbm:s20], [sflag:s21] =	dma.local [spmem:s22], $0x2780  }
0x80: {  	_ =	swait.ge [sflag:s15], $0x2780  }
0x81: {  	[sflag:s15] =	ssyncset.done $0x0  }
0x82: {  	[sflag:s15] =	ssyncadd.s32 $0xFFFFD880  }
0x83: {  	_ =	sfence.sel $0x180000  }
0x84: {  	[bflag:$0x0] =	sbarrier.arrive $0xFFFF  }
0x85: {  	p0 =	sne.s32 s1, $0x0;
	_ =	strace $0x90000047  }
0x86: {  	s0 =	sadd.s32 @!p0 $0x100000, s2;
	[bflag:$0x2] =	sbarrier.arrive $0xFFFF  }
0x87: {  	[sflag:s0] =	ssyncadd.tile.s32 @!p0 $0x1;
	_ =	shalt  }
.Lfunc_end2:
_tile_overlayer_lowered:
.L_overlay_start_2:
0x88: {  	(tag) =	ssettag $0x2  }
0x89: {  	s0 =	rddreg [dreg:$0x0];
	s2 =	stileid.u32  }
0x8a: {  	s1 =	rddreg [dreg:$0x1];
	p0 =	sne.s32 s2, $0x0  }
0x8b: {  	s3 =	rddreg [dreg:$0x2];
	[bflag:$0x3] =	sbarrier.arrive $0xFFFF;
	s2 =	simm.s32 @!p0 $0x1C01  }
0x8c: {  	[timem:s3], [sflag:s2] =	dma.local @!p0 [hbm:s0], s1  }
0x8d: {  	s0 =	simm.s32 @!p0 $0x1  }
0x8e: {  	_ =	swait.ge @!p0 [sflag:s0], s1  }
0x8f: {  	s1 =	ssub.s32 @!p0 $0x0, s1;
	[sflag:s0] =	ssyncset.done @!p0 $0x0  }
0x90: {  	[sflag:s0] =	ssyncadd.s32 @!p0 s1  }
0x91: {  	[bflag:$0x3] =	sbarrier.arrive $0xFFFF  }
0x92: {  	_ =	shalt  }

</sc_bundles>
